<compile_context>
chip_gen: v7x
topology: tpu7x:2x2x1
jax: 0.10.2.dev20260603
libtpu: 0.0.44.dev20260713+nightly
codegen_flags: <defaults>
</compile_context>

<pallas_src>
import jax
import jax.numpy as jnp
from jax import lax
from jax.experimental import pallas as pl
from jax.experimental.pallas import tpu as pltpu
from jax.experimental.pallas import tpu_sc as plsc

B = 16384
D = 128
NC = 2
NS = 16
NW = NC * NS
CHUNK = 128
CPW = B // (NW * CHUNK)


def _gather_body(table_hbm, idx_hbm, out_hbm, tbl_s, idx_v, rows_v, gsem, osem):
    sid = lax.axis_index("s")
    wid = sid * NC + lax.axis_index("c")
    base = wid * CPW

    @pl.when(sid == 0)
    def _():
        pltpu.sync_copy(table_hbm, tbl_s)

    pltpu.sync_copy(idx_hbm.at[pl.ds(base, CPW)], idx_v)
    plsc.subcore_barrier()

    gathers = [
        pltpu.async_copy(tbl_s.at[idx_v.at[j]], rows_v.at[j], gsem)
        for j in range(CPW)
    ]
    writes = []
    for j in range(CPW):
        gathers[j].wait()
        writes.append(
            pltpu.async_copy(
                rows_v.at[j], out_hbm.at[pl.ds((base + j) * CHUNK, CHUNK)], osem
            )
        )
    for w in writes:
        w.wait()


def kernel(grasp_type_id, grasp_type_feat_weight):
    idx = grasp_type_id.astype(jnp.int32).reshape(B // CHUNK, CHUNK)
    mesh = plsc.VectorSubcoreMesh(core_axis_name="c", subcore_axis_name="s")
    run = pl.kernel(
        _gather_body,
        mesh=mesh,
        out_type=jax.ShapeDtypeStruct((B, D), jnp.float32),
        scratch_types=[
            pltpu.VMEM_SHARED((40, D), jnp.float32),
            pltpu.VMEM((CPW, CHUNK), jnp.int32),
            pltpu.VMEM((CPW, CHUNK, D), jnp.float32),
            pltpu.SemaphoreType.DMA,
            pltpu.SemaphoreType.DMA,
        ],
    )
    return run(grasp_type_feat_weight, idx)

# --- scband reference (transcript-rebuilt; emitter-appended) ---
"""Pipeline reference for scband-learnable-type-cond-22419729285761 (READ-ONLY COPY).

The authoritative reference and input builder live on the scoring server;
editing this copy changes nothing except your own understanding.
"""

import jax, jax.numpy as jnp
import numpy as np


def setup_inputs(seed: int = 0) -> dict:
    key = jax.random.key(seed)
    k1, k2 = jax.random.split(key)
    grasp_type_id = jax.random.randint(k1, (16384,), 0, 40, dtype=jnp.int64)
    grasp_type_feat_weight = jax.random.normal(k2, (40, 128), dtype=jnp.float32)
    return {"grasp_type_id": grasp_type_id, "grasp_type_feat_weight": grasp_type_feat_weight}


def reference(grasp_type_id, grasp_type_feat_weight):
    # cfg.use_predictor=False and predicted=False, so no predictor path.
    # cfg.disabled=False, so plain embedding lookup: grasp_type_feat(data['grasp_type_id'])
    return jnp.take(grasp_type_feat_weight, grasp_type_id, axis=0)

if __name__ == "__main__":
    import jax
    _d = setup_inputs()
    print(jax.jit(kernel)(*tuple(_d.values())))

</pallas_src>

<mosaic_0001>
#map = affine_map<(d0, d1) -> (0, 0)>
module attributes {stable_mosaic.version = 14 : i64} {
  func.func @_gather_body(%arg0: i32, %arg1: i32, %arg2: memref<40x128xf32, #tpu.memory_space<hbm>>, %arg3: memref<128x128xi32, #tpu.memory_space<hbm>>, %arg4: memref<16384x128xf32, #tpu.memory_space<hbm>>, %arg5: memref<40x128xf32, #tpu.memory_space<vmem_shared>>, %arg6: memref<4x128xi32, #tpu.memory_space<vmem>>, %arg7: memref<4x128x128xf32, #tpu.memory_space<vmem>>, %arg8: memref<!tpu.dma_semaphore, #tpu.memory_space<semaphore_mem>>, %arg9: memref<!tpu.dma_semaphore, #tpu.memory_space<semaphore_mem>>) attributes {dimension_semantics = [#tpu.dimension_semantics<core_parallel>, #tpu.dimension_semantics<subcore_parallel>], iteration_bounds = array<i64: 2, 16>, scalar_prefetch = 0 : i64, scratch_operands = 5 : i64, tpu.core_type = #tpu.core_type<sc_vector_subcore>, window_params = [{transform_indices = #map}, {transform_indices = #map}, {transform_indices = #map}]} {
    %mul3A = arith.constant 2 : i32
    %mul3A_0 = arith.muli %arg1, %mul3A : i32
    %add3A = arith.addi %mul3A_0, %arg0 : i32
    %mul3A_1 = arith.constant 4 : i32
    %mul3A_2 = arith.muli %add3A, %mul3A_1 : i32
    %eq3A = arith.constant 0 : i32
    %eq3A_3 = arith.cmpi eq, %arg1, %eq3A : i32
    %convert_element_type3A = arith.extui %eq3A_3 : i1 to i32
    %cond3A = arith.constant 0 : i32
    %cond3A_4 = arith.cmpi ne, %convert_element_type3A, %cond3A : i32
    scf.if %cond3A_4 {
      "tpu.region"() ({
        %run_scoped3A = tpu.sem_alloc : memref<!tpu.dma_semaphore, #tpu.memory_space<semaphore_mem>>
        tpu.enqueue_dma source(%arg2 : memref<40x128xf32, #tpu.memory_space<hbm>>) target(%arg5 : memref<40x128xf32, #tpu.memory_space<vmem_shared>>) target_semaphore(%run_scoped3A : memref<!tpu.dma_semaphore, #tpu.memory_space<semaphore_mem>>)
        tpu.wait_dma2 semaphore(%run_scoped3A : memref<!tpu.dma_semaphore, #tpu.memory_space<semaphore_mem>>) src(%arg2 : memref<40x128xf32, #tpu.memory_space<hbm>>) dst(%arg5 : memref<40x128xf32, #tpu.memory_space<vmem_shared>>)
        tpu.yield
      }) : () -> ()
    } else {
    }
    "tpu.region"() ({
      %run_scoped3A = tpu.sem_alloc : memref<!tpu.dma_semaphore, #tpu.memory_space<semaphore_mem>>
      %dma_start3A_219 = arith.constant 0 : i32
      %dma_start3A_220 = tpu.memref_slice %arg3[%mul3A_2, %dma_start3A_219] : memref<128x128xi32, #tpu.memory_space<hbm>> -> memref<4x128xi32, #tpu.memory_space<hbm>>
      %dma_start3A_221 = arith.constant 0 : i32
      %dma_start3A_222 = tpu.memref_slice %arg3[%mul3A_2, %dma_start3A_221] : memref<128x128xi32, #tpu.memory_space<hbm>> -> memref<4x128xi32, #tpu.memory_space<hbm>>
      tpu.enqueue_dma source(%dma_start3A_222 : memref<4x128xi32, #tpu.memory_space<hbm>>) target(%arg6 : memref<4x128xi32, #tpu.memory_space<vmem>>) target_semaphore(%run_scoped3A : memref<!tpu.dma_semaphore, #tpu.memory_space<semaphore_mem>>)
      %dma_wait3A_223 = arith.constant 0 : i32
      %dma_wait3A_224 = tpu.memref_slice %arg3[%mul3A_2, %dma_wait3A_223] : memref<128x128xi32, #tpu.memory_space<hbm>> -> memref<4x128xi32, #tpu.memory_space<hbm>>
      %dma_wait3A_225 = arith.constant 0 : i32
      %dma_wait3A_226 = tpu.memref_slice %arg3[%mul3A_2, %dma_wait3A_225] : memref<128x128xi32, #tpu.memory_space<hbm>> -> memref<4x128xi32, #tpu.memory_space<hbm>>
      tpu.wait_dma2 semaphore(%run_scoped3A : memref<!tpu.dma_semaphore, #tpu.memory_space<semaphore_mem>>) src(%dma_wait3A_226 : memref<4x128xi32, #tpu.memory_space<hbm>>) dst(%arg6 : memref<4x128xi32, #tpu.memory_space<vmem>>)
      tpu.yield
    }) : () -> ()
    %barrier3A = arith.constant 0 : index
    tpu.barrier barrier_id(%barrier3A)
    %dma_start3A = arith.constant 0 : i32
    %dma_start3A_5 = arith.constant 0 : i32
    %dma_start3A_6 = arith.constant 0 : i32
    %dma_start3A_7 = arith.constant 0 : i32
    %dma_start3A_8 = tpu.memref_slice %arg7[%dma_start3A_5, %dma_start3A_6, %dma_start3A_7] : memref<4x128x128xf32, #tpu.memory_space<vmem>> -> memref<1x128x128xf32, #tpu.memory_space<vmem>>
    %dma_start3A_9 = tpu.memref_squeeze %dma_start3A_8 : memref<1x128x128xf32, #tpu.memory_space<vmem>> -> memref<128x128xf32, #tpu.memory_space<vmem>>
    %dma_start3A_10 = arith.constant 0 : i32
    %dma_start3A_11 = tpu.memref_slice %arg6[%dma_start3A, %dma_start3A_10] : memref<4x128xi32, #tpu.memory_space<vmem>> -> memref<1x128xi32, #tpu.memory_space<vmem>>
    %dma_start3A_12 = tpu.memref_squeeze %dma_start3A_11 : memref<1x128xi32, #tpu.memory_space<vmem>> -> memref<128xi32, #tpu.memory_space<vmem>>
    %dma_start3A_13 = arith.constant 0 : i32
    %dma_start3A_14 = arith.constant 0 : i32
    %dma_start3A_15 = tpu.memref_slice %arg5[%dma_start3A_13, %dma_start3A_14] : memref<40x128xf32, #tpu.memory_space<vmem_shared>> -> memref<40x128xf32, #tpu.memory_space<vmem_shared>>
    tpu.enqueue_indirect_dma source(%dma_start3A_15 : memref<40x128xf32, #tpu.memory_space<vmem_shared>>) target(%dma_start3A_9 : memref<128x128xf32, #tpu.memory_space<vmem>>) offsets(%dma_start3A_12 : memref<128xi32, #tpu.memory_space<vmem>>) semaphore(%arg8 : memref<!tpu.dma_semaphore, #tpu.memory_space<semaphore_mem>>)
    %dma_start3A_16 = arith.constant 1 : i32
    %dma_start3A_17 = arith.constant 1 : i32
    %dma_start3A_18 = arith.constant 0 : i32
    %dma_start3A_19 = arith.constant 0 : i32
    %dma_start3A_20 = tpu.memref_slice %arg7[%dma_start3A_17, %dma_start3A_18, %dma_start3A_19] : memref<4x128x128xf32, #tpu.memory_space<vmem>> -> memref<1x128x128xf32, #tpu.memory_space<vmem>>
    %dma_start3A_21 = tpu.memref_squeeze %dma_start3A_20 : memref<1x128x128xf32, #tpu.memory_space<vmem>> -> memref<128x128xf32, #tpu.memory_space<vmem>>
    %dma_start3A_22 = arith.constant 0 : i32
    %dma_start3A_23 = tpu.memref_slice %arg6[%dma_start3A_16, %dma_start3A_22] : memref<4x128xi32, #tpu.memory_space<vmem>> -> memref<1x128xi32, #tpu.memory_space<vmem>>
    %dma_start3A_24 = tpu.memref_squeeze %dma_start3A_23 : memref<1x128xi32, #tpu.memory_space<vmem>> -> memref<128xi32, #tpu.memory_space<vmem>>
    %dma_start3A_25 = arith.constant 0 : i32
    %dma_start3A_26 = arith.constant 0 : i32
    %dma_start3A_27 = tpu.memref_slice %arg5[%dma_start3A_25, %dma_start3A_26] : memref<40x128xf32, #tpu.memory_space<vmem_shared>> -> memref<40x128xf32, #tpu.memory_space<vmem_shared>>
    tpu.enqueue_indirect_dma source(%dma_start3A_27 : memref<40x128xf32, #tpu.memory_space<vmem_shared>>) target(%dma_start3A_21 : memref<128x128xf32, #tpu.memory_space<vmem>>) offsets(%dma_start3A_24 : memref<128xi32, #tpu.memory_space<vmem>>) semaphore(%arg8 : memref<!tpu.dma_semaphore, #tpu.memory_space<semaphore_mem>>)
    %dma_start3A_28 = arith.constant 2 : i32
    %dma_start3A_29 = arith.constant 2 : i32
    %dma_start3A_30 = arith.constant 0 : i32
    %dma_start3A_31 = arith.constant 0 : i32
    %dma_start3A_32 = tpu.memref_slice %arg7[%dma_start3A_29, %dma_start3A_30, %dma_start3A_31] : memref<4x128x128xf32, #tpu.memory_space<vmem>> -> memref<1x128x128xf32, #tpu.memory_space<vmem>>
    %dma_start3A_33 = tpu.memref_squeeze %dma_start3A_32 : memref<1x128x128xf32, #tpu.memory_space<vmem>> -> memref<128x128xf32, #tpu.memory_space<vmem>>
    %dma_start3A_34 = arith.constant 0 : i32
    %dma_start3A_35 = tpu.memref_slice %arg6[%dma_start3A_28, %dma_start3A_34] : memref<4x128xi32, #tpu.memory_space<vmem>> -> memref<1x128xi32, #tpu.memory_space<vmem>>
    %dma_start3A_36 = tpu.memref_squeeze %dma_start3A_35 : memref<1x128xi32, #tpu.memory_space<vmem>> -> memref<128xi32, #tpu.memory_space<vmem>>
    %dma_start3A_37 = arith.constant 0 : i32
    %dma_start3A_38 = arith.constant 0 : i32
    %dma_start3A_39 = tpu.memref_slice %arg5[%dma_start3A_37, %dma_start3A_38] : memref<40x128xf32, #tpu.memory_space<vmem_shared>> -> memref<40x128xf32, #tpu.memory_space<vmem_shared>>
    tpu.enqueue_indirect_dma source(%dma_start3A_39 : memref<40x128xf32, #tpu.memory_space<vmem_shared>>) target(%dma_start3A_33 : memref<128x128xf32, #tpu.memory_space<vmem>>) offsets(%dma_start3A_36 : memref<128xi32, #tpu.memory_space<vmem>>) semaphore(%arg8 : memref<!tpu.dma_semaphore, #tpu.memory_space<semaphore_mem>>)
    %dma_start3A_40 = arith.constant 3 : i32
    %dma_start3A_41 = arith.constant 3 : i32
    %dma_start3A_42 = arith.constant 0 : i32
    %dma_start3A_43 = arith.constant 0 : i32
    %dma_start3A_44 = tpu.memref_slice %arg7[%dma_start3A_41, %dma_start3A_42, %dma_start3A_43] : memref<4x128x128xf32, #tpu.memory_space<vmem>> -> memref<1x128x128xf32, #tpu.memory_space<vmem>>
    %dma_start3A_45 = tpu.memref_squeeze %dma_start3A_44 : memref<1x128x128xf32, #tpu.memory_space<vmem>> -> memref<128x128xf32, #tpu.memory_space<vmem>>
    %dma_start3A_46 = arith.constant 0 : i32
    %dma_start3A_47 = tpu.memref_slice %arg6[%dma_start3A_40, %dma_start3A_46] : memref<4x128xi32, #tpu.memory_space<vmem>> -> memref<1x128xi32, #tpu.memory_space<vmem>>
    %dma_start3A_48 = tpu.memref_squeeze %dma_start3A_47 : memref<1x128xi32, #tpu.memory_space<vmem>> -> memref<128xi32, #tpu.memory_space<vmem>>
    %dma_start3A_49 = arith.constant 0 : i32
    %dma_start3A_50 = arith.constant 0 : i32
    %dma_start3A_51 = tpu.memref_slice %arg5[%dma_start3A_49, %dma_start3A_50] : memref<40x128xf32, #tpu.memory_space<vmem_shared>> -> memref<40x128xf32, #tpu.memory_space<vmem_shared>>
    tpu.enqueue_indirect_dma source(%dma_start3A_51 : memref<40x128xf32, #tpu.memory_space<vmem_shared>>) target(%dma_start3A_45 : memref<128x128xf32, #tpu.memory_space<vmem>>) offsets(%dma_start3A_48 : memref<128xi32, #tpu.memory_space<vmem>>) semaphore(%arg8 : memref<!tpu.dma_semaphore, #tpu.memory_space<semaphore_mem>>)
    %dma_wait3A = arith.constant 0 : i32
    %dma_wait3A_52 = arith.constant 0 : i32
    %dma_wait3A_53 = arith.constant 0 : i32
    %dma_wait3A_54 = arith.constant 0 : i32
    %dma_wait3A_55 = tpu.memref_slice %arg7[%dma_wait3A_52, %dma_wait3A_53, %dma_wait3A_54] : memref<4x128x128xf32, #tpu.memory_space<vmem>> -> memref<1x128x128xf32, #tpu.memory_space<vmem>>
    %dma_wait3A_56 = tpu.memref_squeeze %dma_wait3A_55 : memref<1x128x128xf32, #tpu.memory_space<vmem>> -> memref<128x128xf32, #tpu.memory_space<vmem>>
    %dma_wait3A_57 = arith.constant 0 : i32
    %dma_wait3A_58 = tpu.memref_slice %arg6[%dma_wait3A, %dma_wait3A_57] : memref<4x128xi32, #tpu.memory_space<vmem>> -> memref<1x128xi32, #tpu.memory_space<vmem>>
    %dma_wait3A_59 = tpu.memref_squeeze %dma_wait3A_58 : memref<1x128xi32, #tpu.memory_space<vmem>> -> memref<128xi32, #tpu.memory_space<vmem>>
    %dma_wait3A_60 = arith.constant 0 : i32
    %dma_wait3A_61 = arith.constant 0 : i32
    %dma_wait3A_62 = tpu.memref_slice %arg5[%dma_wait3A_60, %dma_wait3A_61] : memref<40x128xf32, #tpu.memory_space<vmem_shared>> -> memref<40x128xf32, #tpu.memory_space<vmem_shared>>
    tpu.wait_indirect_dma semaphore(%arg8 : memref<!tpu.dma_semaphore, #tpu.memory_space<semaphore_mem>>) src(%dma_wait3A_62 : memref<40x128xf32, #tpu.memory_space<vmem_shared>>) dst(%dma_wait3A_56 : memref<128x128xf32, #tpu.memory_space<vmem>>)
    %add3A_63 = arith.constant 0 : i32
    %add3A_64 = arith.addi %mul3A_2, %add3A_63 : i32
    %mul3A_65 = arith.constant 128 : i32
    %mul3A_66 = arith.muli %add3A_64, %mul3A_65 : i32
    %dma_start3A_67 = arith.constant 0 : i32
    %dma_start3A_68 = arith.constant 0 : i32
    %dma_start3A_69 = arith.constant 0 : i32
    %dma_start3A_70 = tpu.memref_slice %arg7[%dma_start3A_67, %dma_start3A_68, %dma_start3A_69] : memref<4x128x128xf32, #tpu.memory_space<vmem>> -> memref<1x128x128xf32, #tpu.memory_space<vmem>>
    %dma_start3A_71 = tpu.memref_squeeze %dma_start3A_70 : memref<1x128x128xf32, #tpu.memory_space<vmem>> -> memref<128x128xf32, #tpu.memory_space<vmem>>
    %dma_start3A_72 = arith.constant 0 : i32
    %dma_start3A_73 = tpu.memref_slice %arg4[%mul3A_66, %dma_start3A_72] : memref<16384x128xf32, #tpu.memory_space<hbm>> -> memref<128x128xf32, #tpu.memory_space<hbm>>
    %dma_start3A_74 = arith.constant 0 : i32
    %dma_start3A_75 = tpu.memref_slice %arg4[%mul3A_66, %dma_start3A_74] : memref<16384x128xf32, #tpu.memory_space<hbm>> -> memref<128x128xf32, #tpu.memory_space<hbm>>
    %dma_start3A_76 = arith.constant 0 : i32
    %dma_start3A_77 = arith.constant 0 : i32
    %dma_start3A_78 = tpu.memref_slice %arg7[%dma_start3A_67, %dma_start3A_76, %dma_start3A_77] : memref<4x128x128xf32, #tpu.memory_space<vmem>> -> memref<1x128x128xf32, #tpu.memory_space<vmem>>
    %dma_start3A_79 = tpu.memref_squeeze %dma_start3A_78 : memref<1x128x128xf32, #tpu.memory_space<vmem>> -> memref<128x128xf32, #tpu.memory_space<vmem>>
    tpu.enqueue_dma source(%dma_start3A_79 : memref<128x128xf32, #tpu.memory_space<vmem>>) target(%dma_start3A_75 : memref<128x128xf32, #tpu.memory_space<hbm>>) target_semaphore(%arg9 : memref<!tpu.dma_semaphore, #tpu.memory_space<semaphore_mem>>)
    %dma_wait3A_80 = arith.constant 1 : i32
    %dma_wait3A_81 = arith.constant 1 : i32
    %dma_wait3A_82 = arith.constant 0 : i32
    %dma_wait3A_83 = arith.constant 0 : i32
    %dma_wait3A_84 = tpu.memref_slice %arg7[%dma_wait3A_81, %dma_wait3A_82, %dma_wait3A_83] : memref<4x128x128xf32, #tpu.memory_space<vmem>> -> memref<1x128x128xf32, #tpu.memory_space<vmem>>
    %dma_wait3A_85 = tpu.memref_squeeze %dma_wait3A_84 : memref<1x128x128xf32, #tpu.memory_space<vmem>> -> memref<128x128xf32, #tpu.memory_space<vmem>>
    %dma_wait3A_86 = arith.constant 0 : i32
    %dma_wait3A_87 = tpu.memref_slice %arg6[%dma_wait3A_80, %dma_wait3A_86] : memref<4x128xi32, #tpu.memory_space<vmem>> -> memref<1x128xi32, #tpu.memory_space<vmem>>
    %dma_wait3A_88 = tpu.memref_squeeze %dma_wait3A_87 : memref<1x128xi32, #tpu.memory_space<vmem>> -> memref<128xi32, #tpu.memory_space<vmem>>
    %dma_wait3A_89 = arith.constant 0 : i32
    %dma_wait3A_90 = arith.constant 0 : i32
    %dma_wait3A_91 = tpu.memref_slice %arg5[%dma_wait3A_89, %dma_wait3A_90] : memref<40x128xf32, #tpu.memory_space<vmem_shared>> -> memref<40x128xf32, #tpu.memory_space<vmem_shared>>
    tpu.wait_indirect_dma semaphore(%arg8 : memref<!tpu.dma_semaphore, #tpu.memory_space<semaphore_mem>>) src(%dma_wait3A_91 : memref<40x128xf32, #tpu.memory_space<vmem_shared>>) dst(%dma_wait3A_85 : memref<128x128xf32, #tpu.memory_space<vmem>>)
    %add3A_92 = arith.constant 1 : i32
    %add3A_93 = arith.addi %mul3A_2, %add3A_92 : i32
    %mul3A_94 = arith.constant 128 : i32
    %mul3A_95 = arith.muli %add3A_93, %mul3A_94 : i32
    %dma_start3A_96 = arith.constant 1 : i32
    %dma_start3A_97 = arith.constant 0 : i32
    %dma_start3A_98 = arith.constant 0 : i32
    %dma_start3A_99 = tpu.memref_slice %arg7[%dma_start3A_96, %dma_start3A_97, %dma_start3A_98] : memref<4x128x128xf32, #tpu.memory_space<vmem>> -> memref<1x128x128xf32, #tpu.memory_space<vmem>>
    %dma_start3A_100 = tpu.memref_squeeze %dma_start3A_99 : memref<1x128x128xf32, #tpu.memory_space<vmem>> -> memref<128x128xf32, #tpu.memory_space<vmem>>
    %dma_start3A_101 = arith.constant 0 : i32
    %dma_start3A_102 = tpu.memref_slice %arg4[%mul3A_95, %dma_start3A_101] : memref<16384x128xf32, #tpu.memory_space<hbm>> -> memref<128x128xf32, #tpu.memory_space<hbm>>
    %dma_start3A_103 = arith.constant 0 : i32
    %dma_start3A_104 = tpu.memref_slice %arg4[%mul3A_95, %dma_start3A_103] : memref<16384x128xf32, #tpu.memory_space<hbm>> -> memref<128x128xf32, #tpu.memory_space<hbm>>
    %dma_start3A_105 = arith.constant 0 : i32
    %dma_start3A_106 = arith.constant 0 : i32
    %dma_start3A_107 = tpu.memref_slice %arg7[%dma_start3A_96, %dma_start3A_105, %dma_start3A_106] : memref<4x128x128xf32, #tpu.memory_space<vmem>> -> memref<1x128x128xf32, #tpu.memory_space<vmem>>
    %dma_start3A_108 = tpu.memref_squeeze %dma_start3A_107 : memref<1x128x128xf32, #tpu.memory_space<vmem>> -> memref<128x128xf32, #tpu.memory_space<vmem>>
    tpu.enqueue_dma source(%dma_start3A_108 : memref<128x128xf32, #tpu.memory_space<vmem>>) target(%dma_start3A_104 : memref<128x128xf32, #tpu.memory_space<hbm>>) target_semaphore(%arg9 : memref<!tpu.dma_semaphore, #tpu.memory_space<semaphore_mem>>)
    %dma_wait3A_109 = arith.constant 2 : i32
    %dma_wait3A_110 = arith.constant 2 : i32
    %dma_wait3A_111 = arith.constant 0 : i32
    %dma_wait3A_112 = arith.constant 0 : i32
    %dma_wait3A_113 = tpu.memref_slice %arg7[%dma_wait3A_110, %dma_wait3A_111, %dma_wait3A_112] : memref<4x128x128xf32, #tpu.memory_space<vmem>> -> memref<1x128x128xf32, #tpu.memory_space<vmem>>
    %dma_wait3A_114 = tpu.memref_squeeze %dma_wait3A_113 : memref<1x128x128xf32, #tpu.memory_space<vmem>> -> memref<128x128xf32, #tpu.memory_space<vmem>>
    %dma_wait3A_115 = arith.constant 0 : i32
    %dma_wait3A_116 = tpu.memref_slice %arg6[%dma_wait3A_109, %dma_wait3A_115] : memref<4x128xi32, #tpu.memory_space<vmem>> -> memref<1x128xi32, #tpu.memory_space<vmem>>
    %dma_wait3A_117 = tpu.memref_squeeze %dma_wait3A_116 : memref<1x128xi32, #tpu.memory_space<vmem>> -> memref<128xi32, #tpu.memory_space<vmem>>
    %dma_wait3A_118 = arith.constant 0 : i32
    %dma_wait3A_119 = arith.constant 0 : i32
    %dma_wait3A_120 = tpu.memref_slice %arg5[%dma_wait3A_118, %dma_wait3A_119] : memref<40x128xf32, #tpu.memory_space<vmem_shared>> -> memref<40x128xf32, #tpu.memory_space<vmem_shared>>
    tpu.wait_indirect_dma semaphore(%arg8 : memref<!tpu.dma_semaphore, #tpu.memory_space<semaphore_mem>>) src(%dma_wait3A_120 : memref<40x128xf32, #tpu.memory_space<vmem_shared>>) dst(%dma_wait3A_114 : memref<128x128xf32, #tpu.memory_space<vmem>>)
    %add3A_121 = arith.constant 2 : i32
    %add3A_122 = arith.addi %mul3A_2, %add3A_121 : i32
    %mul3A_123 = arith.constant 128 : i32
    %mul3A_124 = arith.muli %add3A_122, %mul3A_123 : i32
    %dma_start3A_125 = arith.constant 2 : i32
    %dma_start3A_126 = arith.constant 0 : i32
    %dma_start3A_127 = arith.constant 0 : i32
    %dma_start3A_128 = tpu.memref_slice %arg7[%dma_start3A_125, %dma_start3A_126, %dma_start3A_127] : memref<4x128x128xf32, #tpu.memory_space<vmem>> -> memref<1x128x128xf32, #tpu.memory_space<vmem>>
    %dma_start3A_129 = tpu.memref_squeeze %dma_start3A_128 : memref<1x128x128xf32, #tpu.memory_space<vmem>> -> memref<128x128xf32, #tpu.memory_space<vmem>>
    %dma_start3A_130 = arith.constant 0 : i32
    %dma_start3A_131 = tpu.memref_slice %arg4[%mul3A_124, %dma_start3A_130] : memref<16384x128xf32, #tpu.memory_space<hbm>> -> memref<128x128xf32, #tpu.memory_space<hbm>>
    %dma_start3A_132 = arith.constant 0 : i32
    %dma_start3A_133 = tpu.memref_slice %arg4[%mul3A_124, %dma_start3A_132] : memref<16384x128xf32, #tpu.memory_space<hbm>> -> memref<128x128xf32, #tpu.memory_space<hbm>>
    %dma_start3A_134 = arith.constant 0 : i32
    %dma_start3A_135 = arith.constant 0 : i32
    %dma_start3A_136 = tpu.memref_slice %arg7[%dma_start3A_125, %dma_start3A_134, %dma_start3A_135] : memref<4x128x128xf32, #tpu.memory_space<vmem>> -> memref<1x128x128xf32, #tpu.memory_space<vmem>>
    %dma_start3A_137 = tpu.memref_squeeze %dma_start3A_136 : memref<1x128x128xf32, #tpu.memory_space<vmem>> -> memref<128x128xf32, #tpu.memory_space<vmem>>
    tpu.enqueue_dma source(%dma_start3A_137 : memref<128x128xf32, #tpu.memory_space<vmem>>) target(%dma_start3A_133 : memref<128x128xf32, #tpu.memory_space<hbm>>) target_semaphore(%arg9 : memref<!tpu.dma_semaphore, #tpu.memory_space<semaphore_mem>>)
    %dma_wait3A_138 = arith.constant 3 : i32
    %dma_wait3A_139 = arith.constant 3 : i32
    %dma_wait3A_140 = arith.constant 0 : i32
    %dma_wait3A_141 = arith.constant 0 : i32
    %dma_wait3A_142 = tpu.memref_slice %arg7[%dma_wait3A_139, %dma_wait3A_140, %dma_wait3A_141] : memref<4x128x128xf32, #tpu.memory_space<vmem>> -> memref<1x128x128xf32, #tpu.memory_space<vmem>>
    %dma_wait3A_143 = tpu.memref_squeeze %dma_wait3A_142 : memref<1x128x128xf32, #tpu.memory_space<vmem>> -> memref<128x128xf32, #tpu.memory_space<vmem>>
    %dma_wait3A_144 = arith.constant 0 : i32
    %dma_wait3A_145 = tpu.memref_slice %arg6[%dma_wait3A_138, %dma_wait3A_144] : memref<4x128xi32, #tpu.memory_space<vmem>> -> memref<1x128xi32, #tpu.memory_space<vmem>>
    %dma_wait3A_146 = tpu.memref_squeeze %dma_wait3A_145 : memref<1x128xi32, #tpu.memory_space<vmem>> -> memref<128xi32, #tpu.memory_space<vmem>>
    %dma_wait3A_147 = arith.constant 0 : i32
    %dma_wait3A_148 = arith.constant 0 : i32
    %dma_wait3A_149 = tpu.memref_slice %arg5[%dma_wait3A_147, %dma_wait3A_148] : memref<40x128xf32, #tpu.memory_space<vmem_shared>> -> memref<40x128xf32, #tpu.memory_space<vmem_shared>>
    tpu.wait_indirect_dma semaphore(%arg8 : memref<!tpu.dma_semaphore, #tpu.memory_space<semaphore_mem>>) src(%dma_wait3A_149 : memref<40x128xf32, #tpu.memory_space<vmem_shared>>) dst(%dma_wait3A_143 : memref<128x128xf32, #tpu.memory_space<vmem>>)
    %add3A_150 = arith.constant 3 : i32
    %add3A_151 = arith.addi %mul3A_2, %add3A_150 : i32
    %mul3A_152 = arith.constant 128 : i32
    %mul3A_153 = arith.muli %add3A_151, %mul3A_152 : i32
    %dma_start3A_154 = arith.constant 3 : i32
    %dma_start3A_155 = arith.constant 0 : i32
    %dma_start3A_156 = arith.constant 0 : i32
    %dma_start3A_157 = tpu.memref_slice %arg7[%dma_start3A_154, %dma_start3A_155, %dma_start3A_156] : memref<4x128x128xf32, #tpu.memory_space<vmem>> -> memref<1x128x128xf32, #tpu.memory_space<vmem>>
    %dma_start3A_158 = tpu.memref_squeeze %dma_start3A_157 : memref<1x128x128xf32, #tpu.memory_space<vmem>> -> memref<128x128xf32, #tpu.memory_space<vmem>>
    %dma_start3A_159 = arith.constant 0 : i32
    %dma_start3A_160 = tpu.memref_slice %arg4[%mul3A_153, %dma_start3A_159] : memref<16384x128xf32, #tpu.memory_space<hbm>> -> memref<128x128xf32, #tpu.memory_space<hbm>>
    %dma_start3A_161 = arith.constant 0 : i32
    %dma_start3A_162 = tpu.memref_slice %arg4[%mul3A_153, %dma_start3A_161] : memref<16384x128xf32, #tpu.memory_space<hbm>> -> memref<128x128xf32, #tpu.memory_space<hbm>>
    %dma_start3A_163 = arith.constant 0 : i32
    %dma_start3A_164 = arith.constant 0 : i32
    %dma_start3A_165 = tpu.memref_slice %arg7[%dma_start3A_154, %dma_start3A_163, %dma_start3A_164] : memref<4x128x128xf32, #tpu.memory_space<vmem>> -> memref<1x128x128xf32, #tpu.memory_space<vmem>>
    %dma_start3A_166 = tpu.memref_squeeze %dma_start3A_165 : memref<1x128x128xf32, #tpu.memory_space<vmem>> -> memref<128x128xf32, #tpu.memory_space<vmem>>
    tpu.enqueue_dma source(%dma_start3A_166 : memref<128x128xf32, #tpu.memory_space<vmem>>) target(%dma_start3A_162 : memref<128x128xf32, #tpu.memory_space<hbm>>) target_semaphore(%arg9 : memref<!tpu.dma_semaphore, #tpu.memory_space<semaphore_mem>>)
    %dma_wait3A_167 = arith.constant 0 : i32
    %dma_wait3A_168 = arith.constant 0 : i32
    %dma_wait3A_169 = arith.constant 0 : i32
    %dma_wait3A_170 = tpu.memref_slice %arg7[%dma_wait3A_167, %dma_wait3A_168, %dma_wait3A_169] : memref<4x128x128xf32, #tpu.memory_space<vmem>> -> memref<1x128x128xf32, #tpu.memory_space<vmem>>
    %dma_wait3A_171 = tpu.memref_squeeze %dma_wait3A_170 : memref<1x128x128xf32, #tpu.memory_space<vmem>> -> memref<128x128xf32, #tpu.memory_space<vmem>>
    %dma_wait3A_172 = arith.constant 0 : i32
    %dma_wait3A_173 = tpu.memref_slice %arg4[%mul3A_66, %dma_wait3A_172] : memref<16384x128xf32, #tpu.memory_space<hbm>> -> memref<128x128xf32, #tpu.memory_space<hbm>>
    %dma_wait3A_174 = arith.constant 0 : i32
    %dma_wait3A_175 = tpu.memref_slice %arg4[%mul3A_66, %dma_wait3A_174] : memref<16384x128xf32, #tpu.memory_space<hbm>> -> memref<128x128xf32, #tpu.memory_space<hbm>>
    %dma_wait3A_176 = arith.constant 0 : i32
    %dma_wait3A_177 = arith.constant 0 : i32
    %dma_wait3A_178 = tpu.memref_slice %arg7[%dma_wait3A_167, %dma_wait3A_176, %dma_wait3A_177] : memref<4x128x128xf32, #tpu.memory_space<vmem>> -> memref<1x128x128xf32, #tpu.memory_space<vmem>>
    %dma_wait3A_179 = tpu.memref_squeeze %dma_wait3A_178 : memref<1x128x128xf32, #tpu.memory_space<vmem>> -> memref<128x128xf32, #tpu.memory_space<vmem>>
    tpu.wait_dma2 semaphore(%arg9 : memref<!tpu.dma_semaphore, #tpu.memory_space<semaphore_mem>>) src(%dma_wait3A_179 : memref<128x128xf32, #tpu.memory_space<vmem>>) dst(%dma_wait3A_175 : memref<128x128xf32, #tpu.memory_space<hbm>>)
    %dma_wait3A_180 = arith.constant 1 : i32
    %dma_wait3A_181 = arith.constant 0 : i32
    %dma_wait3A_182 = arith.constant 0 : i32
    %dma_wait3A_183 = tpu.memref_slice %arg7[%dma_wait3A_180, %dma_wait3A_181, %dma_wait3A_182] : memref<4x128x128xf32, #tpu.memory_space<vmem>> -> memref<1x128x128xf32, #tpu.memory_space<vmem>>
    %dma_wait3A_184 = tpu.memref_squeeze %dma_wait3A_183 : memref<1x128x128xf32, #tpu.memory_space<vmem>> -> memref<128x128xf32, #tpu.memory_space<vmem>>
    %dma_wait3A_185 = arith.constant 0 : i32
    %dma_wait3A_186 = tpu.memref_slice %arg4[%mul3A_95, %dma_wait3A_185] : memref<16384x128xf32, #tpu.memory_space<hbm>> -> memref<128x128xf32, #tpu.memory_space<hbm>>
    %dma_wait3A_187 = arith.constant 0 : i32
    %dma_wait3A_188 = tpu.memref_slice %arg4[%mul3A_95, %dma_wait3A_187] : memref<16384x128xf32, #tpu.memory_space<hbm>> -> memref<128x128xf32, #tpu.memory_space<hbm>>
    %dma_wait3A_189 = arith.constant 0 : i32
    %dma_wait3A_190 = arith.constant 0 : i32
    %dma_wait3A_191 = tpu.memref_slice %arg7[%dma_wait3A_180, %dma_wait3A_189, %dma_wait3A_190] : memref<4x128x128xf32, #tpu.memory_space<vmem>> -> memref<1x128x128xf32, #tpu.memory_space<vmem>>
    %dma_wait3A_192 = tpu.memref_squeeze %dma_wait3A_191 : memref<1x128x128xf32, #tpu.memory_space<vmem>> -> memref<128x128xf32, #tpu.memory_space<vmem>>
    tpu.wait_dma2 semaphore(%arg9 : memref<!tpu.dma_semaphore, #tpu.memory_space<semaphore_mem>>) src(%dma_wait3A_192 : memref<128x128xf32, #tpu.memory_space<vmem>>) dst(%dma_wait3A_188 : memref<128x128xf32, #tpu.memory_space<hbm>>)
    %dma_wait3A_193 = arith.constant 2 : i32
    %dma_wait3A_194 = arith.constant 0 : i32
    %dma_wait3A_195 = arith.constant 0 : i32
    %dma_wait3A_196 = tpu.memref_slice %arg7[%dma_wait3A_193, %dma_wait3A_194, %dma_wait3A_195] : memref<4x128x128xf32, #tpu.memory_space<vmem>> -> memref<1x128x128xf32, #tpu.memory_space<vmem>>
    %dma_wait3A_197 = tpu.memref_squeeze %dma_wait3A_196 : memref<1x128x128xf32, #tpu.memory_space<vmem>> -> memref<128x128xf32, #tpu.memory_space<vmem>>
    %dma_wait3A_198 = arith.constant 0 : i32
    %dma_wait3A_199 = tpu.memref_slice %arg4[%mul3A_124, %dma_wait3A_198] : memref<16384x128xf32, #tpu.memory_space<hbm>> -> memref<128x128xf32, #tpu.memory_space<hbm>>
    %dma_wait3A_200 = arith.constant 0 : i32
    %dma_wait3A_201 = tpu.memref_slice %arg4[%mul3A_124, %dma_wait3A_200] : memref<16384x128xf32, #tpu.memory_space<hbm>> -> memref<128x128xf32, #tpu.memory_space<hbm>>
    %dma_wait3A_202 = arith.constant 0 : i32
    %dma_wait3A_203 = arith.constant 0 : i32
    %dma_wait3A_204 = tpu.memref_slice %arg7[%dma_wait3A_193, %dma_wait3A_202, %dma_wait3A_203] : memref<4x128x128xf32, #tpu.memory_space<vmem>> -> memref<1x128x128xf32, #tpu.memory_space<vmem>>
    %dma_wait3A_205 = tpu.memref_squeeze %dma_wait3A_204 : memref<1x128x128xf32, #tpu.memory_space<vmem>> -> memref<128x128xf32, #tpu.memory_space<vmem>>
    tpu.wait_dma2 semaphore(%arg9 : memref<!tpu.dma_semaphore, #tpu.memory_space<semaphore_mem>>) src(%dma_wait3A_205 : memref<128x128xf32, #tpu.memory_space<vmem>>) dst(%dma_wait3A_201 : memref<128x128xf32, #tpu.memory_space<hbm>>)
    %dma_wait3A_206 = arith.constant 3 : i32
    %dma_wait3A_207 = arith.constant 0 : i32
    %dma_wait3A_208 = arith.constant 0 : i32
    %dma_wait3A_209 = tpu.memref_slice %arg7[%dma_wait3A_206, %dma_wait3A_207, %dma_wait3A_208] : memref<4x128x128xf32, #tpu.memory_space<vmem>> -> memref<1x128x128xf32, #tpu.memory_space<vmem>>
    %dma_wait3A_210 = tpu.memref_squeeze %dma_wait3A_209 : memref<1x128x128xf32, #tpu.memory_space<vmem>> -> memref<128x128xf32, #tpu.memory_space<vmem>>
    %dma_wait3A_211 = arith.constant 0 : i32
    %dma_wait3A_212 = tpu.memref_slice %arg4[%mul3A_153, %dma_wait3A_211] : memref<16384x128xf32, #tpu.memory_space<hbm>> -> memref<128x128xf32, #tpu.memory_space<hbm>>
    %dma_wait3A_213 = arith.constant 0 : i32
    %dma_wait3A_214 = tpu.memref_slice %arg4[%mul3A_153, %dma_wait3A_213] : memref<16384x128xf32, #tpu.memory_space<hbm>> -> memref<128x128xf32, #tpu.memory_space<hbm>>
    %dma_wait3A_215 = arith.constant 0 : i32
    %dma_wait3A_216 = arith.constant 0 : i32
    %dma_wait3A_217 = tpu.memref_slice %arg7[%dma_wait3A_206, %dma_wait3A_215, %dma_wait3A_216] : memref<4x128x128xf32, #tpu.memory_space<vmem>> -> memref<1x128x128xf32, #tpu.memory_space<vmem>>
    %dma_wait3A_218 = tpu.memref_squeeze %dma_wait3A_217 : memref<1x128x128xf32, #tpu.memory_space<vmem>> -> memref<128x128xf32, #tpu.memory_space<vmem>>
    tpu.wait_dma2 semaphore(%arg9 : memref<!tpu.dma_semaphore, #tpu.memory_space<semaphore_mem>>) src(%dma_wait3A_218 : memref<128x128xf32, #tpu.memory_space<vmem>>) dst(%dma_wait3A_214 : memref<128x128xf32, #tpu.memory_space<hbm>>)
    return
  }
}

</mosaic_0001>

<sc_bundles>
// kernel: kernel.3.cloned.1.call-start
scs
__scs_entry_jumppad:
0x0: {  	(pc) =	sbr.rel $0x88, $3  }
0x1: {  	(tag) =	ssettag $0x0;
	lr =	simm.s32 $0x1  }
0x2: {  	[smem:$0x3F9F] =	sst lr;
	_ =	strace $0xD0000000  }
0x3: {  	_ = 	snop  }
0x4: {  	_ = 	snop  }
0x5: {  	_ = 	snop  }
0x6: {  	_ = 	snop  }
0x7: {  	_ = 	snop  }
__scs_overlays_trampoline_lowered:
0x8: {  	[smem:$0x3FAE] =	sst s0  }
0x9: {  	[smem:$0x3FAF] =	sst s1  }
0xa: {  	[smem:$0x3FB0] =	sst s2  }
0xb: {  	[smem:$0x3FB1] =	sst s3  }
0xc: {  	[smem:$0x3FB2] =	sst s4  }
0xd: {  	[smem:$0x3FB3] =	sst s5  }
0xe: {  	[smem:$0x3FB4] =	sst s6  }
0xf: {  	[smem:$0x3FB5] =	sst s7  }
0x10: {  	[smem:$0x3FB6] =	sst s8  }
0x11: {  	[smem:$0x3FB7] =	sst s9;
	s0 =	simm.s32 @!p0 $0x0  }
0x12: {  	s1 =	sld [smem:$0x3F9D];
	s0 =	simm.s32 @p0 $0x1  }
0x13: {  	[smem:$0x3FB8] =	sst s0;
	s0 =	simm.s32 @!p1 $0x0  }
0x14: {  	s2 =	sld [smem:$0x3F9C];
	s0 =	simm.s32 @p1 $0x1  }
0x15: {  	[smem:$0x3FB9] =	sst s0;
	s0 =	simm.s32 @!p2 $0x0  }
0x16: {  	s3 =	sld [smem:$0x3FDB];
	s0 =	simm.s32 @p2 $0x1  }
0x17: {  	s4 =	simm.s32 $0x1BF5;
	[smem:$0x3FBB] =	sst s0  }
0x18: {  	s0 =	sld [smem:$0x3F9E];
	_ =	swait.ge [sflag:s4], $0x0  }
0x19: {  	s7 =	sld [smem:$0x3F9F]  }
0x1a: {  	s8 =	sadd.s32 $0xFFFFE003, lr  }
0x1b: {  	s9 =	sadd.s32 $0xFFFFFEF7, lr;
	s5 =	simm.s32 $0xFFFFFFFF;
	p2 =	slt.u32 s8, $0xFFFFF086  }
0x1c: {  	p1 =	slt.u32 s9, $0xF7A;
	s5 =	simm.s32 @!p2 $0x0  }
0x1d: {  	s5 =	simm.s32 @p1 $0x1;
	p0 =	seq.s32 s7, s2  }
0x1e: {  	s7 =	smul.u32 @!p0 $0xF7A, s2;
	p2 =	seq.s32 @!p0 s5, $0x0  }
0x1f: {  	s9 =	smul.u32 $0xF7A, s1;
	s8 =	simm.s32 @!p0 $0x1BF5;
	p2 =	por !p2, p0  }
0x20: {  	[sflag:s8] =	ssyncset.s32 @!p0 $0xFFFFF086;
	s6 =	sadd.s32 @!p0 s3, s7;
	s7 =	simm.s32 @!p0 $0x108  }
0x21: {  	s3 =	sadd.s32 s3, s9;
	s6 =	sadd.s32 @!p0 $0x88, s6;
	s7 =	simm.s32 @p2 $0x1082  }
0x22: {  	[simem:s7], [sflag:s8] =	dma.local @!p0 [hbm:s6], $0xF7A  }
0x23: {  	s9 =	sor.u32 $0xD0000000, s2;
	s6 =	simm.s32 $0x108;
	_ =	swait.ge @!p0 [sflag:s8], $0x0  }
0x24: {  	s3 =	sadd.s32 $0x88, s3;
	s6 =	simm.s32 @!p1 $0x1082;
	[sflag:s4] =	ssyncset.s32 $0xFFFFF086  }
0x25: {  	[simem:s6], [sflag:s4] =	dma.local [hbm:s3], $0xF7A  }
0x26: {  	[smem:$0x3F9F] =	sst s1;
	(tag) =	ssettag s2;
	_ =	strace s9  }
0x27: {  	s1 =	sld [smem:$0x3FAF]  }
0x28: {  	s2 =	sld [smem:$0x3FB0]  }
0x29: {  	s4 =	sld [smem:$0x3FB2]  }
0x2a: {  	p0 =	seq.s32 s5, $0x0;
	s5 =	sld [smem:$0x3FB3]  }
0x2b: {  	s6 =	sld [smem:$0x3FB4]  }
0x2c: {  	s7 =	sld [smem:$0x3FB5]  }
0x2d: {  	s3 =	simm.s32 $0x108;
	s8 =	sld [smem:$0x3FB6]  }
0x2e: {  	s3 =	simm.s32 @!p0 $0x1082;
	s9 =	sld [smem:$0x3FB7]  }
0x2f: {  	lr =	sadd.s32 s0, s3;
	s0 =	sld [smem:$0x3FAE]  }
0x30: {  	s3 =	sld [smem:$0x3FB1]  }
0x31: {  	[smem:$0x3FBA] =	sst s10  }
0x32: {  	s10 =	sld [smem:$0x3FB8];
	_ =	sdelay $0x3  }
0x33: {  	p0 =	seq.s32 s10, $0x1;
	s10 =	sld [smem:$0x3FBA];
	_ =	sdelay $0x3  }
0x34: {  	[smem:$0x3FBA] =	sst s10  }
0x35: {  	s10 =	sld [smem:$0x3FB9];
	_ =	sdelay $0x3  }
0x36: {  	p1 =	seq.s32 s10, $0x1;
	s10 =	sld [smem:$0x3FBA];
	_ =	sdelay $0x3  }
0x37: {  	[smem:$0x3FBA] =	sst s10  }
0x38: {  	s10 =	sld [smem:$0x3FBB]  }
0x39: {  	_ = 	snop;
	(pc) =	sbr.ind lr, $3  }
0x3a: {  	_ = 	snop  }
0x3b: {  	_ = 	snop  }
0x3c: {  	p2 =	seq.s32 s10, $0x1;
	s10 =	sld [smem:$0x3FBA]  }
0x3d: {  	_ =	shalt  }
0x3e: {  	_ =	shalt  }
0x3f: {  	_ =	shalt  }
0x40: {  	_ =	shalt  }
0x41: {  	_ =	shalt  }
0x42: {  	_ =	shalt  }
0x43: {  	_ =	shalt  }
0x44: {  	_ =	shalt  }
0x45: {  	_ =	shalt  }
0x46: {  	_ =	shalt  }
0x47: {  	_ =	shalt  }
0x48: {  	_ =	shalt  }
0x49: {  	_ =	shalt  }
0x4a: {  	_ =	shalt  }
0x4b: {  	_ =	shalt  }
0x4c: {  	_ =	shalt  }
0x4d: {  	_ =	shalt  }
0x4e: {  	_ =	shalt  }
0x4f: {  	_ =	shalt  }
0x50: {  	_ =	shalt  }
0x51: {  	_ =	shalt  }
0x52: {  	_ =	shalt  }
0x53: {  	_ =	shalt  }
0x54: {  	_ =	shalt  }
0x55: {  	_ =	shalt  }
0x56: {  	_ =	shalt  }
0x57: {  	_ =	shalt  }
0x58: {  	_ =	shalt  }
0x59: {  	_ =	shalt  }
0x5a: {  	_ =	shalt  }
0x5b: {  	_ =	shalt  }
0x5c: {  	_ =	shalt  }
0x5d: {  	_ =	shalt  }
0x5e: {  	_ =	shalt  }
0x5f: {  	_ =	shalt  }
0x60: {  	_ =	shalt  }
0x61: {  	_ =	shalt  }
0x62: {  	_ =	shalt  }
0x63: {  	_ =	shalt  }
0x64: {  	_ =	shalt  }
0x65: {  	_ =	shalt  }
0x66: {  	_ =	shalt  }
0x67: {  	_ =	shalt  }
0x68: {  	_ =	shalt  }
0x69: {  	_ =	shalt  }
0x6a: {  	_ =	shalt  }
0x6b: {  	_ =	shalt  }
0x6c: {  	_ =	shalt  }
0x6d: {  	_ =	shalt  }
0x6e: {  	_ =	shalt  }
0x6f: {  	_ =	shalt  }
0x70: {  	_ =	shalt  }
0x71: {  	_ =	shalt  }
0x72: {  	_ =	shalt  }
0x73: {  	_ =	shalt  }
0x74: {  	_ =	shalt  }
0x75: {  	_ =	shalt  }
0x76: {  	_ =	shalt  }
0x77: {  	_ =	shalt  }
0x78: {  	_ =	shalt  }
0x79: {  	_ =	shalt  }
0x7a: {  	_ =	shalt  }
0x7b: {  	_ =	shalt  }
0x7c: {  	_ =	shalt  }
0x7d: {  	_ =	shalt  }
0x7e: {  	_ =	shalt  }
0x7f: {  	_ =	shalt  }
0x80: {  	_ =	shalt  }
0x81: {  	_ =	shalt  }
0x82: {  	_ =	shalt  }
0x83: {  	_ =	shalt  }
0x84: {  	_ =	shalt  }
0x85: {  	_ =	shalt  }
0x86: {  	_ =	shalt  }
0x87: {  	_ =	shalt  }
.Lfunc_end0:
.L_simem_size_0:
called_computation_lowered:
.L_overlay_start_0:
0x88: {  	s2 =	sld [smem:$0x3FD9]  }
0x89: {  	s3 =	sld [smem:$0x3FFE];
	_ =	sdelay $0x1  }
0x8a: {  	s1 =	srdreg.scid  }
0x8b: {  	s0 =	sand.u32 $0x1, s1  }
0x8c: {  	s18 =	sshll.u32 s0, $0xA;
	s2 =	sadd.s32 s3, s2  }
0x8d: {  	s2 =	sadd.s32 s2, s18  }
0x8e: {  	[smem:$0x3FC6] =	sst s2  }
0x8f: {  	_ = 	snop  }
0x90: {  	s2 =	sld [smem:$0x3FC9]  }
0x91: {  	s19 =	sld [smem:$0x3FC8]  }
0x92: {  	s4 =	sld [smem:$0x3FD0];
	(tm) =	ssettm $0x1  }
0x93: {  	s5 =	sld [smem:$0x3FFB];
	_ =	sdelay $0x3  }
0x94: {  	_ =	strace s5  }
0x95: {  	s5 =	sld [smem:$0x3FFC];
	_ =	sdelay $0x3  }
0x96: {  	_ =	strace s5  }
0x97: {  	s5 =	sld [smem:$0x3FFD];
	_ =	sdelay $0x3  }
0x98: {  	_ =	strace s5  }
0x99: {  	_ =	strace $0x8FFFFFFF  }
0x9a: {  	s20 =	sld [smem:$0x3FDB];
	_ =	sdelay $0x1  }
0x9b: {  	s6 =	simm.s32 $_scs_section_size  }
0x9c: {  	s7 =	simm.s32 $_size__tile_overlayer_lowered;
	s8 =	simm.s32 $_tile_overlayer_lowered  }
0x9d: {  	s23 =	simm.s32 $0x1BFF;
	s22 =	sshll.u32 s8, $0x1;
	s5 =	sadd.s32 s6, s20  }
0x9e: {  	s9 =	simm.s32 $0x0;
	s21 =	sshll.u32 s7, $0x1;
	s7 =	sadd.s32 s22, s5  }
0x9f: {  	[timem:s9], [sflag:s23] =	dma.local [hbm:s7], s21  }
0xa0: {  	_ =	swait.ge [sflag:s23], s21  }
0xa1: {  	s6 =	ssub.s32 $0x0, s21;
	[sflag:s23] =	ssyncset.done $0x0  }
0xa2: {  	[sflag:s23] =	ssyncadd.s32 s6;
	_ =	sdelay $0x1  }
0xa3: {  	s24 =	simm.s32 $0x1B8B  }
0xa4: {  	_ =	swait.ge [sflag:s24], $0x1  }
0xa5: {  	[sflag:s24] =	ssyncset.done $0x0  }
0xa6: {  	s25 =	simm.s32 $0x1B8E;
	[sflag:s24] =	ssyncadd.s32 $0xFFFFFFFF  }
0xa7: {  	s26 =	simm.s32 $execute0_lowered;
	[smem:$0x3FD2] =	sst s25  }
0xa8: {  	s6 =	sshll.u32 s26, $0x1;
	_ =	strace $0x80000046;
	[dreg:$0x1] =	wrdreg $0xFFFFFFFF  }
0xa9: {  	s28 =	simm.s32 $_size_execute0_lowered;
	s5 =	sadd.s32 s5, s6;
	[dreg:$0x0] =	wrdreg $0x0  }
0xaa: {  	s6 =	sshll.u32 s28, $0x1;
	[dreg:$0x2] =	wrdreg s5  }
0xab: {  	[dreg:$0x3] =	wrdreg s6  }
0xac: {  	[dreg:$0x4] =	wrdreg $0xC0  }
0xad: {  	_ =	task [dreg:s9], $0x5FFFF  }
0xae: {  	[dreg:$0x1] =	wrdreg $0xFFFFFFFF  }
0xaf: {  	[dreg:$0x0] =	wrdreg $0x60  }
0xb0: {  	[dreg:$0x2] =	wrdreg s19  }
0xb1: {  	[dreg:$0x3] =	wrdreg s2  }
0xb2: {  	[dreg:$0x4] =	wrdreg s4  }
0xb3: {  	[dreg:$0x5] =	wrdreg $0x0  }
0xb4: {  	[dreg:$0x6] =	wrdreg $0x9  }
0xb5: {  	_ =	task.clear_ibuf [dreg:s9], $0x7FFFF;
	_ =	strace $0x90000046  }
0xb6: {  	s29 =	simm.s32 $0x9;
	_ =	strace $0x80000048  }
0xb7: {  	_ =	swait.ge [sflag:s29], $0x1  }
0xb8: {  	[sflag:s29] =	ssyncadd.s32 $0xFFFFFFFF  }
0xb9: {  	_ =	strace $0x90000048  }
0xba: {  	_ =	sfence  }
0xbb: {  	s30 =	sld [smem:$0x0];
	_ =	sdelay $0x2  }
0xbc: {  	s31 =	sshll.u32 s1, $0xD;
	s1 =	sshrl.u32 s1, $0x2  }
0xbd: {  	s3 =	sand.u32 $0x4000, s31;
	s1 =	sadd.s32 s1, s30  }
0xbe: {  	s0 =	sor.u32 s3, s0;
	s1 =	sshll.u32 s1, $0x11  }
0xbf: {  	s0 =	sor.u32 s1, s0  }
0xc0: {  	s0 =	sadd.s32 $0x8F2B, s0  }
0xc1: {  	[sflag:s0] =	ssyncadd.remote.s32 $0x1  }
0xc2: {  	_ =	sfence.sel $0xFFFF  }
0xc3: {  	[dreg:$0x0] =	wrdreg $0xFFFFFFFF;
	(pc) =	sbr.abs _section_cstart, $3  }
0xc4: {  	[dreg:$0x1] =	wrdreg $0xFFFFFFFF  }
0xc5: {  	_ =	task.clear_ibuf [dreg:s9], $0x2FFFF;
	_ =	strace $0x9FFFFFFF  }
0xc6: {  	(tm) =	ssettm $0x7FFFFFFF  }
0xc7: {  	_ =	shalt  }
tec
execute0_lowered:
.L_overlay_start_1:
0x0: {  	(tag) =	ssettag $0x1  }
0x1: {  	s5 =	rddreg [dreg:$0x0]  }
0x2: {  	s3 =	rddreg [dreg:$0x1]  }
0x3: {  	s4 =	rddreg [dreg:$0x2]  }
0x4: {  	s2 =	rddreg [dreg:$0x3];
	s6 =	srdreg.scid  }
0x5: {  	s0 =	rddreg [dreg:$0x4];
	s1 =	simm.s32 $0x0;
	s9 =	stileid.u32  }
0x6: {  	s16 =	simm.s32 $0x140;
	s17 =	simm.s32 $0x3;
	s6 =	sand.u32 $0x1, s6  }
0x7: {  	s15 =	simm.s32 $0x80;
	s13 =	simm.s32 $0x340;
	s7 =	ssub.s32 $0x2, s6  }
0x8: {  	s18 =	simm.s32 $0x1C0;
	s19 =	simm.s32 $0x240;
	s8 =	sshrl.u32 s7, $0x1  }
0x9: {  	s20 =	simm.s32 $0x2C0;
	p1 =	por $0x0, $0x0;
	s30 =	ssub.s32 s7, s8  }
0xa: {  	[smem:$0x7FF] =	sst s1;
	s11 =	sshll.u32 s9, $0xE;
	s31 =	smax.u32 s30, $0x1  }
0xb: {  	s12 =	sshll.u32 s9, $0x7;
	p0 =	sne.s32 s9, $0x0;
	s24 =	sadd.s32 $0xFFFFFFFF, s31  }
0xc: {  	s9 =	simm.s32 $0xC340;
	_ =	strace $0x80000047;
	p2 =	sne.s32 s24, $0x0  }
.Ltmp0:
0xd: {  	s10 =	sshll.u32 s6, $0x6;
	s6 =	sshll.u32 s6, $0xD;
	(pc) =	sbr.rel @!p2 .LBB2_3-.Ltmp0, $4  }
0xe: {  	s21 =	sshrl.u32 @!p0 s2, $0x3;
	s3 =	sadd.s32 s3, s10;
	s6 =	sor.u32 s6, s11  }
0xf: {  	s11 =	simm.s32 $0x4340;
	s10 =	simm.s32 $0x8340;
	s14 =	sadd.s32 s12, s3  }
0x10: {  	s8 =	sadd.s32 s4, s6;
	s12 =	simm.s32 $0x1;
	s6 =	simm.s32 $0x2  }
0x11: {  	s7 =	sadd.s32 $0x800, s8;
	s4 =	sadd.s32 $0x1000, s8;
	s3 =	sadd.s32 $0x1800, s8  }
0x12: {  	s22 =	simm.s32 @!p0 $0x1C03;
	s23 =	simm.s32 @!p0 $0x3  }
0x13: {  	[spmem:s21], [sflag:s22] =	dma.local @!p0 [hbm:s5], $0x280  }
0x14: {  	_ =	swait.ge @!p0 [sflag:s23], $0x280  }
0x15: {  	[sflag:s23] =	ssyncset.done @!p0 $0x0  }
0x16: {  	[sflag:s23] =	ssyncadd.s32 @!p0 $0xFFFFFD80  }
0x17: {  	[tilespmem:s16], [sflag:$0x3] =	stream.linear.gather [hbm4b:s14+s1], $0x200, $0x38;
	[tilespmem:$0x10340] =	vst v63  }
0x18: {  	_ =	swait.ge [sflag:s17], $0x200  }
0x19: {  	[sflag:s17] =	ssyncset.done $0x0  }
0x1a: {  	[sflag:s17] =	ssyncadd.s32 $0xFFFFFE00  }
0x1b: {  	[bflag:$0x0] =	sbarrier.arrive $0xFFFF  }
0x1c: {  	[tilespmem:s13], [sflag:$0x1] =	stream.indirect.gather [spmem:s2], $0x80, s16, s15, $0xb8;
	[tilespmem:$0x10340] =	vst v63  }
0x1d: {  	_ = 	snop  }
0x1e: {  	[tilespmem:s11], [sflag:$0x1] =	stream.indirect.gather [spmem:s2], $0x80, s18, s15, $0xb8;
	[tilespmem:$0x10340] =	vst v63  }
0x1f: {  	_ = 	snop  }
0x20: {  	[tilespmem:s10], [sflag:$0x1] =	stream.indirect.gather [spmem:s2], $0x80, s19, s15, $0xb8;
	[tilespmem:$0x10340] =	vst v63  }
0x21: {  	_ = 	snop  }
0x22: {  	[tilespmem:s9], [sflag:$0x1] =	stream.indirect.gather [spmem:s2], $0x80, s20, s15, $0xb8;
	[tilespmem:$0x10340] =	vst v63  }
0x23: {  	_ =	swait.ge [sflag:s12], $0x4000  }
0x24: {  	[sflag:s12] =	ssyncset.done $0x0  }
0x25: {  	[sflag:s12] =	ssyncadd.s32 $0xFFFFC000  }
0x26: {  	[hbm4b:s8+s1] =	stream.linear.scatter [tilespmem:s13], [sflag:$0x2], $0x4000, $0x38;
	[tilespmem:$0x10340] =	vst v63  }
0x27: {  	_ =	swait.ge [sflag:s12], $0x4000  }
0x28: {  	[sflag:s12] =	ssyncset.done $0x0  }
0x29: {  	[sflag:s12] =	ssyncadd.s32 $0xFFFFC000  }
0x2a: {  	[hbm4b:s7+s1] =	stream.linear.scatter [tilespmem:s11], [sflag:$0x2], $0x4000, $0x38;
	[tilespmem:$0x10340] =	vst v63  }
0x2b: {  	_ =	swait.ge [sflag:s12], $0x4000  }
0x2c: {  	[sflag:s12] =	ssyncset.done $0x0  }
0x2d: {  	[sflag:s12] =	ssyncadd.s32 $0xFFFFC000  }
0x2e: {  	[hbm4b:s4+s1] =	stream.linear.scatter [tilespmem:s10], [sflag:$0x2], $0x4000, $0x38;
	[tilespmem:$0x10340] =	vst v63  }
0x2f: {  	_ =	swait.ge [sflag:s12], $0x4000  }
0x30: {  	[sflag:s12] =	ssyncset.done $0x0  }
0x31: {  	[sflag:s12] =	ssyncadd.s32 $0xFFFFC000  }
0x32: {  	[hbm4b:s3+s1] =	stream.linear.scatter [tilespmem:s9], [sflag:$0x2], $0x4000, $0x38;
	[tilespmem:$0x10340] =	vst v63  }
0x33: {  	_ =	swait.ge [sflag:s6], $0x4000  }
0x34: {  	[sflag:s6] =	ssyncset.done $0x0  }
0x35: {  	[sflag:s6] =	ssyncadd.s32 $0xFFFFC000  }
0x36: {  	_ =	swait.ge [sflag:s6], $0x4000  }
0x37: {  	s24 =	sadd.s32 $0xFFFFFFFF, s24;
	[sflag:s6] =	ssyncset.done $0x0  }
0x38: {  	p2 =	sne.s32 s24, $0x0;
	[sflag:s6] =	ssyncadd.s32 $0xFFFFC000  }
.Ltmp1:
0x39: {  	_ =	swait.ge [sflag:s6], $0x4000;
	(pc) =	sbr.rel @!p2 .LBB2_3-.Ltmp1, $4  }
0x3a: {  	[sflag:s6] =	ssyncset.done $0x0  }
0x3b: {  	[sflag:s6] =	ssyncadd.s32 $0xFFFFC000  }
0x3c: {  	_ =	swait.ge [sflag:s6], $0x4000  }
0x3d: {  	p1 =	por $0x1, $0x1;
	[sflag:s6] =	ssyncset.done $0x0  }
.LBB2_2:
0x3e: {  	[sflag:s6] =	ssyncadd.s32 $0xFFFFC000  }
0x3f: {  	[spmem:s21], [sflag:s22] =	dma.local @!p0 [hbm:s5], $0x280  }
0x40: {  	s24 =	sadd.s32 $0xFFFFFFFF, s24;
	_ =	swait.ge @!p0 [sflag:s23], $0x280  }
0x41: {  	p2 =	sne.s32 s24, $0x0;
	[sflag:s23] =	ssyncset.done @!p0 $0x0  }
0x42: {  	[sflag:s23] =	ssyncadd.s32 @!p0 $0xFFFFFD80  }
0x43: {  	[tilespmem:s16], [sflag:$0x3] =	stream.linear.gather [hbm4b:s14+s1], $0x200, $0x38;
	[tilespmem:$0x10340] =	vst v63  }
0x44: {  	_ =	swait.ge [sflag:s17], $0x200  }
0x45: {  	[sflag:s17] =	ssyncset.done $0x0  }
0x46: {  	[sflag:s17] =	ssyncadd.s32 $0xFFFFFE00  }
0x47: {  	[bflag:$0x0] =	sbarrier.arrive $0xFFFF  }
0x48: {  	[tilespmem:s13], [sflag:$0x1] =	stream.indirect.gather [spmem:s2], $0x80, s16, s15, $0xb8;
	[tilespmem:$0x10340] =	vst v63  }
0x49: {  	_ = 	snop  }
0x4a: {  	[tilespmem:s11], [sflag:$0x1] =	stream.indirect.gather [spmem:s2], $0x80, s18, s15, $0xb8;
	[tilespmem:$0x10340] =	vst v63  }
0x4b: {  	_ = 	snop  }
0x4c: {  	[tilespmem:s10], [sflag:$0x1] =	stream.indirect.gather [spmem:s2], $0x80, s19, s15, $0xb8;
	[tilespmem:$0x10340] =	vst v63  }
0x4d: {  	_ = 	snop  }
0x4e: {  	[tilespmem:s9], [sflag:$0x1] =	stream.indirect.gather [spmem:s2], $0x80, s20, s15, $0xb8;
	[tilespmem:$0x10340] =	vst v63  }
0x4f: {  	_ =	swait.ge [sflag:s12], $0x4000  }
0x50: {  	[sflag:s12] =	ssyncset.done $0x0  }
0x51: {  	[sflag:s12] =	ssyncadd.s32 $0xFFFFC000  }
0x52: {  	[hbm4b:s8+s1] =	stream.linear.scatter [tilespmem:s13], [sflag:$0x2], $0x4000, $0x38;
	[tilespmem:$0x10340] =	vst v63  }
0x53: {  	_ =	swait.ge [sflag:s12], $0x4000  }
0x54: {  	[sflag:s12] =	ssyncset.done $0x0  }
0x55: {  	[sflag:s12] =	ssyncadd.s32 $0xFFFFC000  }
0x56: {  	[hbm4b:s7+s1] =	stream.linear.scatter [tilespmem:s11], [sflag:$0x2], $0x4000, $0x38;
	[tilespmem:$0x10340] =	vst v63  }
0x57: {  	_ =	swait.ge [sflag:s12], $0x4000  }
0x58: {  	[sflag:s12] =	ssyncset.done $0x0  }
0x59: {  	[sflag:s12] =	ssyncadd.s32 $0xFFFFC000  }
0x5a: {  	[hbm4b:s4+s1] =	stream.linear.scatter [tilespmem:s10], [sflag:$0x2], $0x4000, $0x38;
	[tilespmem:$0x10340] =	vst v63  }
0x5b: {  	_ =	swait.ge [sflag:s12], $0x4000  }
0x5c: {  	[sflag:s12] =	ssyncset.done $0x0  }
0x5d: {  	[sflag:s12] =	ssyncadd.s32 $0xFFFFC000  }
0x5e: {  	[hbm4b:s3+s1] =	stream.linear.scatter [tilespmem:s9], [sflag:$0x2], $0x4000, $0x38;
	[tilespmem:$0x10340] =	vst v63  }
0x5f: {  	_ =	swait.ge [sflag:s6], $0x4000  }
0x60: {  	[sflag:s6] =	ssyncset.done $0x0  }
0x61: {  	[sflag:s6] =	ssyncadd.s32 $0xFFFFC000  }
0x62: {  	_ =	swait.ge [sflag:s6], $0x4000  }
0x63: {  	[sflag:s6] =	ssyncset.done $0x0  }
0x64: {  	[sflag:s6] =	ssyncadd.s32 $0xFFFFC000  }
.Ltmp2:
0x65: {  	_ =	swait.ge [sflag:s6], $0x4000;
	(pc) =	sbr.rel @p2 .LBB2_2-.Ltmp2, $4  }
0x66: {  	[sflag:s6] =	ssyncset.done $0x0  }
0x67: {  	[sflag:s6] =	ssyncadd.s32 $0xFFFFC000  }
0x68: {  	_ =	swait.ge [sflag:s6], $0x4000  }
0x69: {  	[sflag:s6] =	ssyncset.done $0x0  }
.LBB2_3:
0x6a: {  	s22 =	simm.s32 @!p0 $0x1C03;
	s23 =	simm.s32 @!p0 $0x3;
	[sflag:s6] =	ssyncadd.s32 @p1 $0xFFFFC000  }
0x6b: {  	[spmem:s21], [sflag:s22] =	dma.local @!p0 [hbm:s5], $0x280  }
0x6c: {  	_ =	swait.ge @!p0 [sflag:s23], $0x280  }
0x6d: {  	[sflag:s23] =	ssyncset.done @!p0 $0x0  }
0x6e: {  	[sflag:s23] =	ssyncadd.s32 @!p0 $0xFFFFFD80  }
0x6f: {  	[tilespmem:s16], [sflag:$0x3] =	stream.linear.gather [hbm4b:s14+s1], $0x200, $0x38;
	[tilespmem:$0x10340] =	vst v63  }
0x70: {  	_ =	swait.ge [sflag:s17], $0x200  }
0x71: {  	[sflag:s17] =	ssyncset.done $0x0  }
0x72: {  	[sflag:s17] =	ssyncadd.s32 $0xFFFFFE00  }
0x73: {  	[bflag:$0x0] =	sbarrier.arrive $0xFFFF  }
0x74: {  	[tilespmem:s13], [sflag:$0x1] =	stream.indirect.gather [spmem:s2], $0x80, s16, s15, $0xb8;
	[tilespmem:$0x10340] =	vst v63  }
0x75: {  	_ = 	snop  }
0x76: {  	[tilespmem:s11], [sflag:$0x1] =	stream.indirect.gather [spmem:s2], $0x80, s18, s15, $0xb8;
	[tilespmem:$0x10340] =	vst v63  }
0x77: {  	_ = 	snop  }
0x78: {  	[tilespmem:s10], [sflag:$0x1] =	stream.indirect.gather [spmem:s2], $0x80, s19, s15, $0xb8;
	[tilespmem:$0x10340] =	vst v63  }
0x79: {  	_ = 	snop  }
0x7a: {  	[tilespmem:s9], [sflag:$0x1] =	stream.indirect.gather [spmem:s2], $0x80, s20, s15, $0xb8;
	[tilespmem:$0x10340] =	vst v63  }
0x7b: {  	_ =	swait.ge [sflag:s12], $0x4000  }
0x7c: {  	[sflag:s12] =	ssyncset.done $0x0  }
0x7d: {  	[sflag:s12] =	ssyncadd.s32 $0xFFFFC000  }
0x7e: {  	[hbm4b:s8+s1] =	stream.linear.scatter [tilespmem:s13], [sflag:$0x2], $0x4000, $0x38;
	[tilespmem:$0x10340] =	vst v63  }
0x7f: {  	_ =	swait.ge [sflag:s12], $0x4000  }
0x80: {  	[sflag:s12] =	ssyncset.done $0x0  }
0x81: {  	[sflag:s12] =	ssyncadd.s32 $0xFFFFC000  }
0x82: {  	[hbm4b:s7+s1] =	stream.linear.scatter [tilespmem:s11], [sflag:$0x2], $0x4000, $0x38;
	[tilespmem:$0x10340] =	vst v63  }
0x83: {  	_ =	swait.ge [sflag:s12], $0x4000  }
0x84: {  	[sflag:s12] =	ssyncset.done $0x0  }
0x85: {  	[sflag:s12] =	ssyncadd.s32 $0xFFFFC000  }
0x86: {  	[hbm4b:s4+s1] =	stream.linear.scatter [tilespmem:s10], [sflag:$0x2], $0x4000, $0x38;
	[tilespmem:$0x10340] =	vst v63  }
0x87: {  	_ =	swait.ge [sflag:s12], $0x4000  }
0x88: {  	[sflag:s12] =	ssyncset.done $0x0  }
0x89: {  	[sflag:s12] =	ssyncadd.s32 $0xFFFFC000  }
0x8a: {  	[hbm4b:s3+s1] =	stream.linear.scatter [tilespmem:s9], [sflag:$0x2], $0x4000, $0x38;
	[tilespmem:$0x10340] =	vst v63  }
0x8b: {  	_ =	swait.ge [sflag:s6], $0x4000  }
0x8c: {  	[sflag:s6] =	ssyncset.done $0x0  }
0x8d: {  	[sflag:s6] =	ssyncadd.s32 $0xFFFFC000  }
0x8e: {  	_ =	swait.ge [sflag:s6], $0x4000  }
0x8f: {  	[sflag:s6] =	ssyncset.done $0x0  }
0x90: {  	[sflag:s6] =	ssyncadd.s32 $0xFFFFC000  }
0x91: {  	_ =	swait.ge [sflag:s6], $0x4000  }
0x92: {  	[sflag:s6] =	ssyncset.done $0x0  }
0x93: {  	[sflag:s6] =	ssyncadd.s32 $0xFFFFC000  }
0x94: {  	_ =	swait.ge [sflag:s6], $0x4000  }
0x95: {  	[sflag:s6] =	ssyncset.done $0x0  }
0x96: {  	[sflag:s6] =	ssyncadd.s32 $0xFFFFC000  }
0x97: {  	_ =	sfence.sel $0x180000  }
0x98: {  	[bflag:$0x0] =	sbarrier.arrive $0xFFFF  }
0x99: {  	_ =	strace $0x90000047  }
0x9a: {  	s0 =	sadd.s32 @!p0 $0x100000, s0;
	[bflag:$0x2] =	sbarrier.arrive $0xFFFF  }
0x9b: {  	[sflag:s0] =	ssyncadd.tile.s32 @!p0 $0x1;
	_ =	shalt  }
.Lfunc_end2:
_tile_overlayer_lowered:
.L_overlay_start_2:
0x9c: {  	(tag) =	ssettag $0x2  }
0x9d: {  	s0 =	rddreg [dreg:$0x0];
	s2 =	stileid.u32  }
0x9e: {  	s1 =	rddreg [dreg:$0x1];
	p0 =	sne.s32 s2, $0x0  }
0x9f: {  	s3 =	rddreg [dreg:$0x2];
	[bflag:$0x3] =	sbarrier.arrive $0xFFFF;
	s2 =	simm.s32 @!p0 $0x1C03  }
0xa0: {  	[timem:s3], [sflag:s2] =	dma.local @!p0 [hbm:s0], s1  }
0xa1: {  	s0 =	simm.s32 @!p0 $0x3  }
0xa2: {  	_ =	swait.ge @!p0 [sflag:s0], s1  }
0xa3: {  	s1 =	ssub.s32 @!p0 $0x0, s1;
	[sflag:s0] =	ssyncset.done @!p0 $0x0  }
0xa4: {  	[sflag:s0] =	ssyncadd.s32 @!p0 s1  }
0xa5: {  	[bflag:$0x3] =	sbarrier.arrive $0xFFFF  }
0xa6: {  	_ =	shalt  }

</sc_bundles>
